<compile_context>
chip_gen: v7x
topology: tpu7x:2x2x1
jax: 0.10.2.dev20260603
libtpu: 0.0.44.dev20260713+nightly
codegen_flags: <defaults>
</compile_context>

<pallas_src>
import jax
import jax.numpy as jnp
from jax.experimental import pallas as pl
from jax.experimental.pallas import tpu as pltpu
from jax.experimental.pallas import tpu_sc as plsc

_B = 16384
_D = 64
_NS = 15
_NPAD = 16
_BLK = 8192
_LANE = 128
_NCORES = 1


def _sc_gather_tiles(embT, neg_idxs):
    mesh = plsc.ScalarSubcoreMesh(axis_name="core", num_cores=_NCORES)

    @pl.kernel(
        out_type=jax.ShapeDtypeStruct((_NPAD, _D, _LANE), embT.dtype),
        mesh=mesh,
        scratch_types=[
            pltpu.SMEM((_NS,), jnp.int32),
            pltpu.SemaphoreType.DMA,
        ],
    )
    def gather_kernel(emb_hbm, idx_hbm, out_hbm, idx_smem, sem):
        pltpu.async_copy(idx_hbm, idx_smem, sem).wait()
        copies = []
        for slot in range(_NPAD):
            v = idx_smem[slot if slot < _NS else 0]
            base = pl.multiple_of(v & (-_LANE), _LANE)
            cp = pltpu.make_async_copy(
                emb_hbm.at[:, pl.ds(base, _LANE)],
                out_hbm.at[slot],
                sem,
            )
            cp.start()
            copies.append(cp)
        for cp in copies:
            cp.wait()

    return gather_kernel(embT, neg_idxs)


def _logsig(x):
    return jnp.minimum(x, 0.0) - jnp.log1p(jnp.exp(-jnp.abs(x)))


def _loss_body(centerT_ref, contextT_ref, staged_ref, col_ref, out_ref,
               s2_ref):
    i = pl.program_id(0)

    @pl.when(i == 0)
    def _():
        w = staged_ref[...]
        w = jnp.where(jnp.abs(w) < jnp.float32(1e30), w, 0.0)
        col = col_ref[...].reshape(_NPAD, 1, 1)
        j = jax.lax.broadcasted_iota(jnp.int32, (_NPAD, _D, _LANE), 2)
        s2_ref[...] = jnp.sum(
            jnp.where(j == col, w, 0.0), axis=2
        )

    c = centerT_ref[...]
    t = contextT_ref[...]
    s = s2_ref[...]

    pos = jnp.sum(c * t, axis=0, keepdims=True)
    pos_ls = _logsig(pos)

    dots = jax.lax.dot_general(
        s, c, (((1,), (0,)), ((), ())), preferred_element_type=jnp.float32
    )
    neg_ls = _logsig(-dots)
    row = jax.lax.broadcasted_iota(jnp.int32, neg_ls.shape, 0)
    neg_ls = jnp.where(row < _NS, neg_ls, 0.0)

    part = jnp.sum(pos_ls) + jnp.sum(neg_ls)

    @pl.when(i == 0)
    def _():
        out_ref[0, 0] = 0.0

    out_ref[0, 0] += -part

    @pl.when(i == (_B // _BLK) - 1)
    def _():
        out_ref[0, 0] = out_ref[0, 0] * (1.0 / _B)


def kernel(center, context, neg_idxs, emb_table):
    idx = neg_idxs.astype(jnp.int32)
    idxp = jnp.concatenate([idx, idx[:1]])
    col = (idxp % _LANE).reshape(_NPAD, 1)

    cT = center.T
    tT = context.T
    eT = emb_table.T
    staged = _sc_gather_tiles(eT, idx)

    nb = _B // _BLK
    out = pl.pallas_call(
        _loss_body,
        grid=(nb,),
        in_specs=[
            pl.BlockSpec((_D, _BLK), lambda i: (0, i)),
            pl.BlockSpec((_D, _BLK), lambda i: (0, i)),
            pl.BlockSpec((_NPAD, _D, _LANE), lambda i: (0, 0, 0)),
            pl.BlockSpec((_NPAD, 1), lambda i: (0, 0)),
        ],
        out_specs=pl.BlockSpec(
            (1, 1), lambda i: (0, 0), memory_space=pltpu.SMEM
        ),
        out_shape=jax.ShapeDtypeStruct((1, 1), jnp.float32),
        scratch_shapes=[pltpu.VMEM((_NPAD, _D), jnp.float32)],
    )(cT, tT, staged, col)
    return out[0, 0]

# --- scband reference (transcript-rebuilt; emitter-appended) ---
"""Pipeline reference for scband-sgnsloss-88613765251186 (READ-ONLY COPY).

The authoritative reference and input builder live on the scoring server;
editing this copy changes nothing except your own understanding.
"""

import jax, jax.numpy as jnp
import numpy as np

B = 16384
D = 64
VOCAB = 100000
NUM_SAMPLES = 15

def setup_inputs(seed: int = 0) -> dict:
    key = jax.random.key(seed)
    k1, k2, k3, k4 = jax.random.split(key, 4)
    center = jax.random.normal(k1, (B, D), dtype=jnp.float32)
    context = jax.random.normal(k2, (B, D), dtype=jnp.float32)
    # stand-in for AliasMultinomial.draw(NUM_SAMPLES): 15 sampled vocab ids
    neg_idxs = jax.random.randint(k3, (NUM_SAMPLES,), 0, VOCAB, dtype=jnp.int64)
    # learned parameter: word embedding table (nn.Embedding weight)
    emb_table = jax.random.normal(k4, (VOCAB, D), dtype=jnp.float32) * 0.1
    return {"center": center, "context": context, "neg_idxs": neg_idxs, "emb_table": emb_table}

def reference(center, context, neg_idxs, emb_table):
    # center, context: [B, D] (already squeezed)
    dots = (center * context).sum(-1)                    # [B]
    log_targets = jax.nn.log_sigmoid(dots)               # [B]
    # get_unigram_samples: embed the sampled negative ids -> [NUM_SAMPLES, D]
    samples = jnp.take(emb_table, neg_idxs, axis=0)
    # loop over samples: dot = (-center * s).sum(-1), logsigmoid; stack and sum over samples
    neg_dots = jnp.einsum('bd,nd->nb', -center, samples)  # [NUM_SAMPLES, B]
    log_samples = jax.nn.log_sigmoid(neg_dots).sum(0)     # [B]
    loss = -(log_targets + log_samples).mean()
    return loss

if __name__ == "__main__":
    import jax
    _d = setup_inputs()
    print(jax.jit(kernel)(*tuple(_d.values())))

</pallas_src>

<mosaic_0001>
#map = affine_map<(d0) -> (0, 0)>
#map1 = affine_map<(d0) -> (0)>
#map2 = affine_map<(d0) -> (0, 0, 0)>
module attributes {stable_mosaic.version = 14 : i64} {
  func.func @gather_kernel(%arg0: i32, %arg1: memref<64x100000xf32, #tpu.memory_space<hbm>>, %arg2: memref<15xi32, #tpu.memory_space<hbm>>, %arg3: memref<16x64x128xf32, #tpu.memory_space<hbm>>, %arg4: memref<15xi32, #tpu.memory_space<smem>>, %arg5: memref<!tpu.dma_semaphore, #tpu.memory_space<semaphore_mem>>) attributes {dimension_semantics = [#tpu.dimension_semantics<core_parallel>], iteration_bounds = array<i64: 1>, scalar_prefetch = 0 : i64, scratch_operands = 2 : i64, tpu.core_type = #tpu.core_type<sc_scalar_subcore>, window_params = [{transform_indices = #map}, {transform_indices = #map1}, {transform_indices = #map2}]} {
    tpu.enqueue_dma source(%arg2 : memref<15xi32, #tpu.memory_space<hbm>>) target(%arg4 : memref<15xi32, #tpu.memory_space<smem>>) target_semaphore(%arg5 : memref<!tpu.dma_semaphore, #tpu.memory_space<semaphore_mem>>)
    tpu.wait_dma2 semaphore(%arg5 : memref<!tpu.dma_semaphore, #tpu.memory_space<semaphore_mem>>) src(%arg2 : memref<15xi32, #tpu.memory_space<hbm>>) dst(%arg4 : memref<15xi32, #tpu.memory_space<smem>>)
    %get3A = arith.constant 0 : i32
    %get3A_0 = arith.index_cast %get3A : i32 to index
    %get3A_1 = memref.load %arg4[%get3A_0] : memref<15xi32, #tpu.memory_space<smem>>
    %and3A = arith.constant -128 : i32
    %and3A_2 = arith.andi %get3A_1, %and3A : i32
    %multiple_of3A = tpu.assume_multiple %and3A_2, 128 : i32
    %dma_start3A = arith.constant 0 : i32
    %dma_start3A_3 = arith.constant 0 : i32
    %dma_start3A_4 = arith.constant 0 : i32
    %dma_start3A_5 = tpu.memref_slice %arg3[%dma_start3A, %dma_start3A_3, %dma_start3A_4] : memref<16x64x128xf32, #tpu.memory_space<hbm>> -> memref<1x64x128xf32, #tpu.memory_space<hbm>>
    %dma_start3A_6 = tpu.memref_squeeze %dma_start3A_5 : memref<1x64x128xf32, #tpu.memory_space<hbm>> -> memref<64x128xf32, #tpu.memory_space<hbm>>
    %dma_start3A_7 = arith.constant 0 : i32
    %dma_start3A_8 = tpu.memref_slice %arg1[%dma_start3A_7, %multiple_of3A] : memref<64x100000xf32, #tpu.memory_space<hbm>> -> memref<64x128xf32, #tpu.memory_space<hbm>>
    tpu.enqueue_dma source(%dma_start3A_8 : memref<64x128xf32, #tpu.memory_space<hbm>>) target(%dma_start3A_6 : memref<64x128xf32, #tpu.memory_space<hbm>>) target_semaphore(%arg5 : memref<!tpu.dma_semaphore, #tpu.memory_space<semaphore_mem>>)
    %get3A_9 = arith.constant 1 : i32
    %get3A_10 = arith.index_cast %get3A_9 : i32 to index
    %get3A_11 = memref.load %arg4[%get3A_10] : memref<15xi32, #tpu.memory_space<smem>>
    %and3A_12 = arith.constant -128 : i32
    %and3A_13 = arith.andi %get3A_11, %and3A_12 : i32
    %multiple_of3A_14 = tpu.assume_multiple %and3A_13, 128 : i32
    %dma_start3A_15 = arith.constant 1 : i32
    %dma_start3A_16 = arith.constant 0 : i32
    %dma_start3A_17 = arith.constant 0 : i32
    %dma_start3A_18 = tpu.memref_slice %arg3[%dma_start3A_15, %dma_start3A_16, %dma_start3A_17] : memref<16x64x128xf32, #tpu.memory_space<hbm>> -> memref<1x64x128xf32, #tpu.memory_space<hbm>>
    %dma_start3A_19 = tpu.memref_squeeze %dma_start3A_18 : memref<1x64x128xf32, #tpu.memory_space<hbm>> -> memref<64x128xf32, #tpu.memory_space<hbm>>
    %dma_start3A_20 = arith.constant 0 : i32
    %dma_start3A_21 = tpu.memref_slice %arg1[%dma_start3A_20, %multiple_of3A_14] : memref<64x100000xf32, #tpu.memory_space<hbm>> -> memref<64x128xf32, #tpu.memory_space<hbm>>
    tpu.enqueue_dma source(%dma_start3A_21 : memref<64x128xf32, #tpu.memory_space<hbm>>) target(%dma_start3A_19 : memref<64x128xf32, #tpu.memory_space<hbm>>) target_semaphore(%arg5 : memref<!tpu.dma_semaphore, #tpu.memory_space<semaphore_mem>>)
    %get3A_22 = arith.constant 2 : i32
    %get3A_23 = arith.index_cast %get3A_22 : i32 to index
    %get3A_24 = memref.load %arg4[%get3A_23] : memref<15xi32, #tpu.memory_space<smem>>
    %and3A_25 = arith.constant -128 : i32
    %and3A_26 = arith.andi %get3A_24, %and3A_25 : i32
    %multiple_of3A_27 = tpu.assume_multiple %and3A_26, 128 : i32
    %dma_start3A_28 = arith.constant 2 : i32
    %dma_start3A_29 = arith.constant 0 : i32
    %dma_start3A_30 = arith.constant 0 : i32
    %dma_start3A_31 = tpu.memref_slice %arg3[%dma_start3A_28, %dma_start3A_29, %dma_start3A_30] : memref<16x64x128xf32, #tpu.memory_space<hbm>> -> memref<1x64x128xf32, #tpu.memory_space<hbm>>
    %dma_start3A_32 = tpu.memref_squeeze %dma_start3A_31 : memref<1x64x128xf32, #tpu.memory_space<hbm>> -> memref<64x128xf32, #tpu.memory_space<hbm>>
    %dma_start3A_33 = arith.constant 0 : i32
    %dma_start3A_34 = tpu.memref_slice %arg1[%dma_start3A_33, %multiple_of3A_27] : memref<64x100000xf32, #tpu.memory_space<hbm>> -> memref<64x128xf32, #tpu.memory_space<hbm>>
    tpu.enqueue_dma source(%dma_start3A_34 : memref<64x128xf32, #tpu.memory_space<hbm>>) target(%dma_start3A_32 : memref<64x128xf32, #tpu.memory_space<hbm>>) target_semaphore(%arg5 : memref<!tpu.dma_semaphore, #tpu.memory_space<semaphore_mem>>)
    %get3A_35 = arith.constant 3 : i32
    %get3A_36 = arith.index_cast %get3A_35 : i32 to index
    %get3A_37 = memref.load %arg4[%get3A_36] : memref<15xi32, #tpu.memory_space<smem>>
    %and3A_38 = arith.constant -128 : i32
    %and3A_39 = arith.andi %get3A_37, %and3A_38 : i32
    %multiple_of3A_40 = tpu.assume_multiple %and3A_39, 128 : i32
    %dma_start3A_41 = arith.constant 3 : i32
    %dma_start3A_42 = arith.constant 0 : i32
    %dma_start3A_43 = arith.constant 0 : i32
    %dma_start3A_44 = tpu.memref_slice %arg3[%dma_start3A_41, %dma_start3A_42, %dma_start3A_43] : memref<16x64x128xf32, #tpu.memory_space<hbm>> -> memref<1x64x128xf32, #tpu.memory_space<hbm>>
    %dma_start3A_45 = tpu.memref_squeeze %dma_start3A_44 : memref<1x64x128xf32, #tpu.memory_space<hbm>> -> memref<64x128xf32, #tpu.memory_space<hbm>>
    %dma_start3A_46 = arith.constant 0 : i32
    %dma_start3A_47 = tpu.memref_slice %arg1[%dma_start3A_46, %multiple_of3A_40] : memref<64x100000xf32, #tpu.memory_space<hbm>> -> memref<64x128xf32, #tpu.memory_space<hbm>>
    tpu.enqueue_dma source(%dma_start3A_47 : memref<64x128xf32, #tpu.memory_space<hbm>>) target(%dma_start3A_45 : memref<64x128xf32, #tpu.memory_space<hbm>>) target_semaphore(%arg5 : memref<!tpu.dma_semaphore, #tpu.memory_space<semaphore_mem>>)
    %get3A_48 = arith.constant 4 : i32
    %get3A_49 = arith.index_cast %get3A_48 : i32 to index
    %get3A_50 = memref.load %arg4[%get3A_49] : memref<15xi32, #tpu.memory_space<smem>>
    %and3A_51 = arith.constant -128 : i32
    %and3A_52 = arith.andi %get3A_50, %and3A_51 : i32
    %multiple_of3A_53 = tpu.assume_multiple %and3A_52, 128 : i32
    %dma_start3A_54 = arith.constant 4 : i32
    %dma_start3A_55 = arith.constant 0 : i32
    %dma_start3A_56 = arith.constant 0 : i32
    %dma_start3A_57 = tpu.memref_slice %arg3[%dma_start3A_54, %dma_start3A_55, %dma_start3A_56] : memref<16x64x128xf32, #tpu.memory_space<hbm>> -> memref<1x64x128xf32, #tpu.memory_space<hbm>>
    %dma_start3A_58 = tpu.memref_squeeze %dma_start3A_57 : memref<1x64x128xf32, #tpu.memory_space<hbm>> -> memref<64x128xf32, #tpu.memory_space<hbm>>
    %dma_start3A_59 = arith.constant 0 : i32
    %dma_start3A_60 = tpu.memref_slice %arg1[%dma_start3A_59, %multiple_of3A_53] : memref<64x100000xf32, #tpu.memory_space<hbm>> -> memref<64x128xf32, #tpu.memory_space<hbm>>
    tpu.enqueue_dma source(%dma_start3A_60 : memref<64x128xf32, #tpu.memory_space<hbm>>) target(%dma_start3A_58 : memref<64x128xf32, #tpu.memory_space<hbm>>) target_semaphore(%arg5 : memref<!tpu.dma_semaphore, #tpu.memory_space<semaphore_mem>>)
    %get3A_61 = arith.constant 5 : i32
    %get3A_62 = arith.index_cast %get3A_61 : i32 to index
    %get3A_63 = memref.load %arg4[%get3A_62] : memref<15xi32, #tpu.memory_space<smem>>
    %and3A_64 = arith.constant -128 : i32
    %and3A_65 = arith.andi %get3A_63, %and3A_64 : i32
    %multiple_of3A_66 = tpu.assume_multiple %and3A_65, 128 : i32
    %dma_start3A_67 = arith.constant 5 : i32
    %dma_start3A_68 = arith.constant 0 : i32
    %dma_start3A_69 = arith.constant 0 : i32
    %dma_start3A_70 = tpu.memref_slice %arg3[%dma_start3A_67, %dma_start3A_68, %dma_start3A_69] : memref<16x64x128xf32, #tpu.memory_space<hbm>> -> memref<1x64x128xf32, #tpu.memory_space<hbm>>
    %dma_start3A_71 = tpu.memref_squeeze %dma_start3A_70 : memref<1x64x128xf32, #tpu.memory_space<hbm>> -> memref<64x128xf32, #tpu.memory_space<hbm>>
    %dma_start3A_72 = arith.constant 0 : i32
    %dma_start3A_73 = tpu.memref_slice %arg1[%dma_start3A_72, %multiple_of3A_66] : memref<64x100000xf32, #tpu.memory_space<hbm>> -> memref<64x128xf32, #tpu.memory_space<hbm>>
    tpu.enqueue_dma source(%dma_start3A_73 : memref<64x128xf32, #tpu.memory_space<hbm>>) target(%dma_start3A_71 : memref<64x128xf32, #tpu.memory_space<hbm>>) target_semaphore(%arg5 : memref<!tpu.dma_semaphore, #tpu.memory_space<semaphore_mem>>)
    %get3A_74 = arith.constant 6 : i32
    %get3A_75 = arith.index_cast %get3A_74 : i32 to index
    %get3A_76 = memref.load %arg4[%get3A_75] : memref<15xi32, #tpu.memory_space<smem>>
    %and3A_77 = arith.constant -128 : i32
    %and3A_78 = arith.andi %get3A_76, %and3A_77 : i32
    %multiple_of3A_79 = tpu.assume_multiple %and3A_78, 128 : i32
    %dma_start3A_80 = arith.constant 6 : i32
    %dma_start3A_81 = arith.constant 0 : i32
    %dma_start3A_82 = arith.constant 0 : i32
    %dma_start3A_83 = tpu.memref_slice %arg3[%dma_start3A_80, %dma_start3A_81, %dma_start3A_82] : memref<16x64x128xf32, #tpu.memory_space<hbm>> -> memref<1x64x128xf32, #tpu.memory_space<hbm>>
    %dma_start3A_84 = tpu.memref_squeeze %dma_start3A_83 : memref<1x64x128xf32, #tpu.memory_space<hbm>> -> memref<64x128xf32, #tpu.memory_space<hbm>>
    %dma_start3A_85 = arith.constant 0 : i32
    %dma_start3A_86 = tpu.memref_slice %arg1[%dma_start3A_85, %multiple_of3A_79] : memref<64x100000xf32, #tpu.memory_space<hbm>> -> memref<64x128xf32, #tpu.memory_space<hbm>>
    tpu.enqueue_dma source(%dma_start3A_86 : memref<64x128xf32, #tpu.memory_space<hbm>>) target(%dma_start3A_84 : memref<64x128xf32, #tpu.memory_space<hbm>>) target_semaphore(%arg5 : memref<!tpu.dma_semaphore, #tpu.memory_space<semaphore_mem>>)
    %get3A_87 = arith.constant 7 : i32
    %get3A_88 = arith.index_cast %get3A_87 : i32 to index
    %get3A_89 = memref.load %arg4[%get3A_88] : memref<15xi32, #tpu.memory_space<smem>>
    %and3A_90 = arith.constant -128 : i32
    %and3A_91 = arith.andi %get3A_89, %and3A_90 : i32
    %multiple_of3A_92 = tpu.assume_multiple %and3A_91, 128 : i32
    %dma_start3A_93 = arith.constant 7 : i32
    %dma_start3A_94 = arith.constant 0 : i32
    %dma_start3A_95 = arith.constant 0 : i32
    %dma_start3A_96 = tpu.memref_slice %arg3[%dma_start3A_93, %dma_start3A_94, %dma_start3A_95] : memref<16x64x128xf32, #tpu.memory_space<hbm>> -> memref<1x64x128xf32, #tpu.memory_space<hbm>>
    %dma_start3A_97 = tpu.memref_squeeze %dma_start3A_96 : memref<1x64x128xf32, #tpu.memory_space<hbm>> -> memref<64x128xf32, #tpu.memory_space<hbm>>
    %dma_start3A_98 = arith.constant 0 : i32
    %dma_start3A_99 = tpu.memref_slice %arg1[%dma_start3A_98, %multiple_of3A_92] : memref<64x100000xf32, #tpu.memory_space<hbm>> -> memref<64x128xf32, #tpu.memory_space<hbm>>
    tpu.enqueue_dma source(%dma_start3A_99 : memref<64x128xf32, #tpu.memory_space<hbm>>) target(%dma_start3A_97 : memref<64x128xf32, #tpu.memory_space<hbm>>) target_semaphore(%arg5 : memref<!tpu.dma_semaphore, #tpu.memory_space<semaphore_mem>>)
    %get3A_100 = arith.constant 8 : i32
    %get3A_101 = arith.index_cast %get3A_100 : i32 to index
    %get3A_102 = memref.load %arg4[%get3A_101] : memref<15xi32, #tpu.memory_space<smem>>
    %and3A_103 = arith.constant -128 : i32
    %and3A_104 = arith.andi %get3A_102, %and3A_103 : i32
    %multiple_of3A_105 = tpu.assume_multiple %and3A_104, 128 : i32
    %dma_start3A_106 = arith.constant 8 : i32
    %dma_start3A_107 = arith.constant 0 : i32
    %dma_start3A_108 = arith.constant 0 : i32
    %dma_start3A_109 = tpu.memref_slice %arg3[%dma_start3A_106, %dma_start3A_107, %dma_start3A_108] : memref<16x64x128xf32, #tpu.memory_space<hbm>> -> memref<1x64x128xf32, #tpu.memory_space<hbm>>
    %dma_start3A_110 = tpu.memref_squeeze %dma_start3A_109 : memref<1x64x128xf32, #tpu.memory_space<hbm>> -> memref<64x128xf32, #tpu.memory_space<hbm>>
    %dma_start3A_111 = arith.constant 0 : i32
    %dma_start3A_112 = tpu.memref_slice %arg1[%dma_start3A_111, %multiple_of3A_105] : memref<64x100000xf32, #tpu.memory_space<hbm>> -> memref<64x128xf32, #tpu.memory_space<hbm>>
    tpu.enqueue_dma source(%dma_start3A_112 : memref<64x128xf32, #tpu.memory_space<hbm>>) target(%dma_start3A_110 : memref<64x128xf32, #tpu.memory_space<hbm>>) target_semaphore(%arg5 : memref<!tpu.dma_semaphore, #tpu.memory_space<semaphore_mem>>)
    %get3A_113 = arith.constant 9 : i32
    %get3A_114 = arith.index_cast %get3A_113 : i32 to index
    %get3A_115 = memref.load %arg4[%get3A_114] : memref<15xi32, #tpu.memory_space<smem>>
    %and3A_116 = arith.constant -128 : i32
    %and3A_117 = arith.andi %get3A_115, %and3A_116 : i32
    %multiple_of3A_118 = tpu.assume_multiple %and3A_117, 128 : i32
    %dma_start3A_119 = arith.constant 9 : i32
    %dma_start3A_120 = arith.constant 0 : i32
    %dma_start3A_121 = arith.constant 0 : i32
    %dma_start3A_122 = tpu.memref_slice %arg3[%dma_start3A_119, %dma_start3A_120, %dma_start3A_121] : memref<16x64x128xf32, #tpu.memory_space<hbm>> -> memref<1x64x128xf32, #tpu.memory_space<hbm>>
    %dma_start3A_123 = tpu.memref_squeeze %dma_start3A_122 : memref<1x64x128xf32, #tpu.memory_space<hbm>> -> memref<64x128xf32, #tpu.memory_space<hbm>>
    %dma_start3A_124 = arith.constant 0 : i32
    %dma_start3A_125 = tpu.memref_slice %arg1[%dma_start3A_124, %multiple_of3A_118] : memref<64x100000xf32, #tpu.memory_space<hbm>> -> memref<64x128xf32, #tpu.memory_space<hbm>>
    tpu.enqueue_dma source(%dma_start3A_125 : memref<64x128xf32, #tpu.memory_space<hbm>>) target(%dma_start3A_123 : memref<64x128xf32, #tpu.memory_space<hbm>>) target_semaphore(%arg5 : memref<!tpu.dma_semaphore, #tpu.memory_space<semaphore_mem>>)
    %get3A_126 = arith.constant 10 : i32
    %get3A_127 = arith.index_cast %get3A_126 : i32 to index
    %get3A_128 = memref.load %arg4[%get3A_127] : memref<15xi32, #tpu.memory_space<smem>>
    %and3A_129 = arith.constant -128 : i32
    %and3A_130 = arith.andi %get3A_128, %and3A_129 : i32
    %multiple_of3A_131 = tpu.assume_multiple %and3A_130, 128 : i32
    %dma_start3A_132 = arith.constant 10 : i32
    %dma_start3A_133 = arith.constant 0 : i32
    %dma_start3A_134 = arith.constant 0 : i32
    %dma_start3A_135 = tpu.memref_slice %arg3[%dma_start3A_132, %dma_start3A_133, %dma_start3A_134] : memref<16x64x128xf32, #tpu.memory_space<hbm>> -> memref<1x64x128xf32, #tpu.memory_space<hbm>>
    %dma_start3A_136 = tpu.memref_squeeze %dma_start3A_135 : memref<1x64x128xf32, #tpu.memory_space<hbm>> -> memref<64x128xf32, #tpu.memory_space<hbm>>
    %dma_start3A_137 = arith.constant 0 : i32
    %dma_start3A_138 = tpu.memref_slice %arg1[%dma_start3A_137, %multiple_of3A_131] : memref<64x100000xf32, #tpu.memory_space<hbm>> -> memref<64x128xf32, #tpu.memory_space<hbm>>
    tpu.enqueue_dma source(%dma_start3A_138 : memref<64x128xf32, #tpu.memory_space<hbm>>) target(%dma_start3A_136 : memref<64x128xf32, #tpu.memory_space<hbm>>) target_semaphore(%arg5 : memref<!tpu.dma_semaphore, #tpu.memory_space<semaphore_mem>>)
    %get3A_139 = arith.constant 11 : i32
    %get3A_140 = arith.index_cast %get3A_139 : i32 to index
    %get3A_141 = memref.load %arg4[%get3A_140] : memref<15xi32, #tpu.memory_space<smem>>
    %and3A_142 = arith.constant -128 : i32
    %and3A_143 = arith.andi %get3A_141, %and3A_142 : i32
    %multiple_of3A_144 = tpu.assume_multiple %and3A_143, 128 : i32
    %dma_start3A_145 = arith.constant 11 : i32
    %dma_start3A_146 = arith.constant 0 : i32
    %dma_start3A_147 = arith.constant 0 : i32
    %dma_start3A_148 = tpu.memref_slice %arg3[%dma_start3A_145, %dma_start3A_146, %dma_start3A_147] : memref<16x64x128xf32, #tpu.memory_space<hbm>> -> memref<1x64x128xf32, #tpu.memory_space<hbm>>
    %dma_start3A_149 = tpu.memref_squeeze %dma_start3A_148 : memref<1x64x128xf32, #tpu.memory_space<hbm>> -> memref<64x128xf32, #tpu.memory_space<hbm>>
    %dma_start3A_150 = arith.constant 0 : i32
    %dma_start3A_151 = tpu.memref_slice %arg1[%dma_start3A_150, %multiple_of3A_144] : memref<64x100000xf32, #tpu.memory_space<hbm>> -> memref<64x128xf32, #tpu.memory_space<hbm>>
    tpu.enqueue_dma source(%dma_start3A_151 : memref<64x128xf32, #tpu.memory_space<hbm>>) target(%dma_start3A_149 : memref<64x128xf32, #tpu.memory_space<hbm>>) target_semaphore(%arg5 : memref<!tpu.dma_semaphore, #tpu.memory_space<semaphore_mem>>)
    %get3A_152 = arith.constant 12 : i32
    %get3A_153 = arith.index_cast %get3A_152 : i32 to index
    %get3A_154 = memref.load %arg4[%get3A_153] : memref<15xi32, #tpu.memory_space<smem>>
    %and3A_155 = arith.constant -128 : i32
    %and3A_156 = arith.andi %get3A_154, %and3A_155 : i32
    %multiple_of3A_157 = tpu.assume_multiple %and3A_156, 128 : i32
    %dma_start3A_158 = arith.constant 12 : i32
    %dma_start3A_159 = arith.constant 0 : i32
    %dma_start3A_160 = arith.constant 0 : i32
    %dma_start3A_161 = tpu.memref_slice %arg3[%dma_start3A_158, %dma_start3A_159, %dma_start3A_160] : memref<16x64x128xf32, #tpu.memory_space<hbm>> -> memref<1x64x128xf32, #tpu.memory_space<hbm>>
    %dma_start3A_162 = tpu.memref_squeeze %dma_start3A_161 : memref<1x64x128xf32, #tpu.memory_space<hbm>> -> memref<64x128xf32, #tpu.memory_space<hbm>>
    %dma_start3A_163 = arith.constant 0 : i32
    %dma_start3A_164 = tpu.memref_slice %arg1[%dma_start3A_163, %multiple_of3A_157] : memref<64x100000xf32, #tpu.memory_space<hbm>> -> memref<64x128xf32, #tpu.memory_space<hbm>>
    tpu.enqueue_dma source(%dma_start3A_164 : memref<64x128xf32, #tpu.memory_space<hbm>>) target(%dma_start3A_162 : memref<64x128xf32, #tpu.memory_space<hbm>>) target_semaphore(%arg5 : memref<!tpu.dma_semaphore, #tpu.memory_space<semaphore_mem>>)
    %get3A_165 = arith.constant 13 : i32
    %get3A_166 = arith.index_cast %get3A_165 : i32 to index
    %get3A_167 = memref.load %arg4[%get3A_166] : memref<15xi32, #tpu.memory_space<smem>>
    %and3A_168 = arith.constant -128 : i32
    %and3A_169 = arith.andi %get3A_167, %and3A_168 : i32
    %multiple_of3A_170 = tpu.assume_multiple %and3A_169, 128 : i32
    %dma_start3A_171 = arith.constant 13 : i32
    %dma_start3A_172 = arith.constant 0 : i32
    %dma_start3A_173 = arith.constant 0 : i32
    %dma_start3A_174 = tpu.memref_slice %arg3[%dma_start3A_171, %dma_start3A_172, %dma_start3A_173] : memref<16x64x128xf32, #tpu.memory_space<hbm>> -> memref<1x64x128xf32, #tpu.memory_space<hbm>>
    %dma_start3A_175 = tpu.memref_squeeze %dma_start3A_174 : memref<1x64x128xf32, #tpu.memory_space<hbm>> -> memref<64x128xf32, #tpu.memory_space<hbm>>
    %dma_start3A_176 = arith.constant 0 : i32
    %dma_start3A_177 = tpu.memref_slice %arg1[%dma_start3A_176, %multiple_of3A_170] : memref<64x100000xf32, #tpu.memory_space<hbm>> -> memref<64x128xf32, #tpu.memory_space<hbm>>
    tpu.enqueue_dma source(%dma_start3A_177 : memref<64x128xf32, #tpu.memory_space<hbm>>) target(%dma_start3A_175 : memref<64x128xf32, #tpu.memory_space<hbm>>) target_semaphore(%arg5 : memref<!tpu.dma_semaphore, #tpu.memory_space<semaphore_mem>>)
    %get3A_178 = arith.constant 14 : i32
    %get3A_179 = arith.index_cast %get3A_178 : i32 to index
    %get3A_180 = memref.load %arg4[%get3A_179] : memref<15xi32, #tpu.memory_space<smem>>
    %and3A_181 = arith.constant -128 : i32
    %and3A_182 = arith.andi %get3A_180, %and3A_181 : i32
    %multiple_of3A_183 = tpu.assume_multiple %and3A_182, 128 : i32
    %dma_start3A_184 = arith.constant 14 : i32
    %dma_start3A_185 = arith.constant 0 : i32
    %dma_start3A_186 = arith.constant 0 : i32
    %dma_start3A_187 = tpu.memref_slice %arg3[%dma_start3A_184, %dma_start3A_185, %dma_start3A_186] : memref<16x64x128xf32, #tpu.memory_space<hbm>> -> memref<1x64x128xf32, #tpu.memory_space<hbm>>
    %dma_start3A_188 = tpu.memref_squeeze %dma_start3A_187 : memref<1x64x128xf32, #tpu.memory_space<hbm>> -> memref<64x128xf32, #tpu.memory_space<hbm>>
    %dma_start3A_189 = arith.constant 0 : i32
    %dma_start3A_190 = tpu.memref_slice %arg1[%dma_start3A_189, %multiple_of3A_183] : memref<64x100000xf32, #tpu.memory_space<hbm>> -> memref<64x128xf32, #tpu.memory_space<hbm>>
    tpu.enqueue_dma source(%dma_start3A_190 : memref<64x128xf32, #tpu.memory_space<hbm>>) target(%dma_start3A_188 : memref<64x128xf32, #tpu.memory_space<hbm>>) target_semaphore(%arg5 : memref<!tpu.dma_semaphore, #tpu.memory_space<semaphore_mem>>)
    %get3A_191 = arith.constant 0 : i32
    %get3A_192 = arith.index_cast %get3A_191 : i32 to index
    %get3A_193 = memref.load %arg4[%get3A_192] : memref<15xi32, #tpu.memory_space<smem>>
    %and3A_194 = arith.constant -128 : i32
    %and3A_195 = arith.andi %get3A_193, %and3A_194 : i32
    %multiple_of3A_196 = tpu.assume_multiple %and3A_195, 128 : i32
    %dma_start3A_197 = arith.constant 15 : i32
    %dma_start3A_198 = arith.constant 0 : i32
    %dma_start3A_199 = arith.constant 0 : i32
    %dma_start3A_200 = tpu.memref_slice %arg3[%dma_start3A_197, %dma_start3A_198, %dma_start3A_199] : memref<16x64x128xf32, #tpu.memory_space<hbm>> -> memref<1x64x128xf32, #tpu.memory_space<hbm>>
    %dma_start3A_201 = tpu.memref_squeeze %dma_start3A_200 : memref<1x64x128xf32, #tpu.memory_space<hbm>> -> memref<64x128xf32, #tpu.memory_space<hbm>>
    %dma_start3A_202 = arith.constant 0 : i32
    %dma_start3A_203 = tpu.memref_slice %arg1[%dma_start3A_202, %multiple_of3A_196] : memref<64x100000xf32, #tpu.memory_space<hbm>> -> memref<64x128xf32, #tpu.memory_space<hbm>>
    tpu.enqueue_dma source(%dma_start3A_203 : memref<64x128xf32, #tpu.memory_space<hbm>>) target(%dma_start3A_201 : memref<64x128xf32, #tpu.memory_space<hbm>>) target_semaphore(%arg5 : memref<!tpu.dma_semaphore, #tpu.memory_space<semaphore_mem>>)
    %dma_wait3A = arith.constant 0 : i32
    %dma_wait3A_204 = arith.constant 0 : i32
    %dma_wait3A_205 = arith.constant 0 : i32
    %dma_wait3A_206 = tpu.memref_slice %arg3[%dma_wait3A, %dma_wait3A_204, %dma_wait3A_205] : memref<16x64x128xf32, #tpu.memory_space<hbm>> -> memref<1x64x128xf32, #tpu.memory_space<hbm>>
    %dma_wait3A_207 = tpu.memref_squeeze %dma_wait3A_206 : memref<1x64x128xf32, #tpu.memory_space<hbm>> -> memref<64x128xf32, #tpu.memory_space<hbm>>
    %dma_wait3A_208 = arith.constant 0 : i32
    %dma_wait3A_209 = tpu.memref_slice %arg1[%dma_wait3A_208, %multiple_of3A] : memref<64x100000xf32, #tpu.memory_space<hbm>> -> memref<64x128xf32, #tpu.memory_space<hbm>>
    tpu.wait_dma2 semaphore(%arg5 : memref<!tpu.dma_semaphore, #tpu.memory_space<semaphore_mem>>) src(%dma_wait3A_209 : memref<64x128xf32, #tpu.memory_space<hbm>>) dst(%dma_wait3A_207 : memref<64x128xf32, #tpu.memory_space<hbm>>)
    %dma_wait3A_210 = arith.constant 1 : i32
    %dma_wait3A_211 = arith.constant 0 : i32
    %dma_wait3A_212 = arith.constant 0 : i32
    %dma_wait3A_213 = tpu.memref_slice %arg3[%dma_wait3A_210, %dma_wait3A_211, %dma_wait3A_212] : memref<16x64x128xf32, #tpu.memory_space<hbm>> -> memref<1x64x128xf32, #tpu.memory_space<hbm>>
    %dma_wait3A_214 = tpu.memref_squeeze %dma_wait3A_213 : memref<1x64x128xf32, #tpu.memory_space<hbm>> -> memref<64x128xf32, #tpu.memory_space<hbm>>
    %dma_wait3A_215 = arith.constant 0 : i32
    %dma_wait3A_216 = tpu.memref_slice %arg1[%dma_wait3A_215, %multiple_of3A_14] : memref<64x100000xf32, #tpu.memory_space<hbm>> -> memref<64x128xf32, #tpu.memory_space<hbm>>
    tpu.wait_dma2 semaphore(%arg5 : memref<!tpu.dma_semaphore, #tpu.memory_space<semaphore_mem>>) src(%dma_wait3A_216 : memref<64x128xf32, #tpu.memory_space<hbm>>) dst(%dma_wait3A_214 : memref<64x128xf32, #tpu.memory_space<hbm>>)
    %dma_wait3A_217 = arith.constant 2 : i32
    %dma_wait3A_218 = arith.constant 0 : i32
    %dma_wait3A_219 = arith.constant 0 : i32
    %dma_wait3A_220 = tpu.memref_slice %arg3[%dma_wait3A_217, %dma_wait3A_218, %dma_wait3A_219] : memref<16x64x128xf32, #tpu.memory_space<hbm>> -> memref<1x64x128xf32, #tpu.memory_space<hbm>>
    %dma_wait3A_221 = tpu.memref_squeeze %dma_wait3A_220 : memref<1x64x128xf32, #tpu.memory_space<hbm>> -> memref<64x128xf32, #tpu.memory_space<hbm>>
    %dma_wait3A_222 = arith.constant 0 : i32
    %dma_wait3A_223 = tpu.memref_slice %arg1[%dma_wait3A_222, %multiple_of3A_27] : memref<64x100000xf32, #tpu.memory_space<hbm>> -> memref<64x128xf32, #tpu.memory_space<hbm>>
    tpu.wait_dma2 semaphore(%arg5 : memref<!tpu.dma_semaphore, #tpu.memory_space<semaphore_mem>>) src(%dma_wait3A_223 : memref<64x128xf32, #tpu.memory_space<hbm>>) dst(%dma_wait3A_221 : memref<64x128xf32, #tpu.memory_space<hbm>>)
    %dma_wait3A_224 = arith.constant 3 : i32
    %dma_wait3A_225 = arith.constant 0 : i32
    %dma_wait3A_226 = arith.constant 0 : i32
    %dma_wait3A_227 = tpu.memref_slice %arg3[%dma_wait3A_224, %dma_wait3A_225, %dma_wait3A_226] : memref<16x64x128xf32, #tpu.memory_space<hbm>> -> memref<1x64x128xf32, #tpu.memory_space<hbm>>
    %dma_wait3A_228 = tpu.memref_squeeze %dma_wait3A_227 : memref<1x64x128xf32, #tpu.memory_space<hbm>> -> memref<64x128xf32, #tpu.memory_space<hbm>>
    %dma_wait3A_229 = arith.constant 0 : i32
    %dma_wait3A_230 = tpu.memref_slice %arg1[%dma_wait3A_229, %multiple_of3A_40] : memref<64x100000xf32, #tpu.memory_space<hbm>> -> memref<64x128xf32, #tpu.memory_space<hbm>>
    tpu.wait_dma2 semaphore(%arg5 : memref<!tpu.dma_semaphore, #tpu.memory_space<semaphore_mem>>) src(%dma_wait3A_230 : memref<64x128xf32, #tpu.memory_space<hbm>>) dst(%dma_wait3A_228 : memref<64x128xf32, #tpu.memory_space<hbm>>)
    %dma_wait3A_231 = arith.constant 4 : i32
    %dma_wait3A_232 = arith.constant 0 : i32
    %dma_wait3A_233 = arith.constant 0 : i32
    %dma_wait3A_234 = tpu.memref_slice %arg3[%dma_wait3A_231, %dma_wait3A_232, %dma_wait3A_233] : memref<16x64x128xf32, #tpu.memory_space<hbm>> -> memref<1x64x128xf32, #tpu.memory_space<hbm>>
    %dma_wait3A_235 = tpu.memref_squeeze %dma_wait3A_234 : memref<1x64x128xf32, #tpu.memory_space<hbm>> -> memref<64x128xf32, #tpu.memory_space<hbm>>
    %dma_wait3A_236 = arith.constant 0 : i32
    %dma_wait3A_237 = tpu.memref_slice %arg1[%dma_wait3A_236, %multiple_of3A_53] : memref<64x100000xf32, #tpu.memory_space<hbm>> -> memref<64x128xf32, #tpu.memory_space<hbm>>
    tpu.wait_dma2 semaphore(%arg5 : memref<!tpu.dma_semaphore, #tpu.memory_space<semaphore_mem>>) src(%dma_wait3A_237 : memref<64x128xf32, #tpu.memory_space<hbm>>) dst(%dma_wait3A_235 : memref<64x128xf32, #tpu.memory_space<hbm>>)
    %dma_wait3A_238 = arith.constant 5 : i32
    %dma_wait3A_239 = arith.constant 0 : i32
    %dma_wait3A_240 = arith.constant 0 : i32
    %dma_wait3A_241 = tpu.memref_slice %arg3[%dma_wait3A_238, %dma_wait3A_239, %dma_wait3A_240] : memref<16x64x128xf32, #tpu.memory_space<hbm>> -> memref<1x64x128xf32, #tpu.memory_space<hbm>>
    %dma_wait3A_242 = tpu.memref_squeeze %dma_wait3A_241 : memref<1x64x128xf32, #tpu.memory_space<hbm>> -> memref<64x128xf32, #tpu.memory_space<hbm>>
    %dma_wait3A_243 = arith.constant 0 : i32
    %dma_wait3A_244 = tpu.memref_slice %arg1[%dma_wait3A_243, %multiple_of3A_66] : memref<64x100000xf32, #tpu.memory_space<hbm>> -> memref<64x128xf32, #tpu.memory_space<hbm>>
    tpu.wait_dma2 semaphore(%arg5 : memref<!tpu.dma_semaphore, #tpu.memory_space<semaphore_mem>>) src(%dma_wait3A_244 : memref<64x128xf32, #tpu.memory_space<hbm>>) dst(%dma_wait3A_242 : memref<64x128xf32, #tpu.memory_space<hbm>>)
    %dma_wait3A_245 = arith.constant 6 : i32
    %dma_wait3A_246 = arith.constant 0 : i32
    %dma_wait3A_247 = arith.constant 0 : i32
    %dma_wait3A_248 = tpu.memref_slice %arg3[%dma_wait3A_245, %dma_wait3A_246, %dma_wait3A_247] : memref<16x64x128xf32, #tpu.memory_space<hbm>> -> memref<1x64x128xf32, #tpu.memory_space<hbm>>
    %dma_wait3A_249 = tpu.memref_squeeze %dma_wait3A_248 : memref<1x64x128xf32, #tpu.memory_space<hbm>> -> memref<64x128xf32, #tpu.memory_space<hbm>>
    %dma_wait3A_250 = arith.constant 0 : i32
    %dma_wait3A_251 = tpu.memref_slice %arg1[%dma_wait3A_250, %multiple_of3A_79] : memref<64x100000xf32, #tpu.memory_space<hbm>> -> memref<64x128xf32, #tpu.memory_space<hbm>>
    tpu.wait_dma2 semaphore(%arg5 : memref<!tpu.dma_semaphore, #tpu.memory_space<semaphore_mem>>) src(%dma_wait3A_251 : memref<64x128xf32, #tpu.memory_space<hbm>>) dst(%dma_wait3A_249 : memref<64x128xf32, #tpu.memory_space<hbm>>)
    %dma_wait3A_252 = arith.constant 7 : i32
    %dma_wait3A_253 = arith.constant 0 : i32
    %dma_wait3A_254 = arith.constant 0 : i32
    %dma_wait3A_255 = tpu.memref_slice %arg3[%dma_wait3A_252, %dma_wait3A_253, %dma_wait3A_254] : memref<16x64x128xf32, #tpu.memory_space<hbm>> -> memref<1x64x128xf32, #tpu.memory_space<hbm>>
    %dma_wait3A_256 = tpu.memref_squeeze %dma_wait3A_255 : memref<1x64x128xf32, #tpu.memory_space<hbm>> -> memref<64x128xf32, #tpu.memory_space<hbm>>
    %dma_wait3A_257 = arith.constant 0 : i32
    %dma_wait3A_258 = tpu.memref_slice %arg1[%dma_wait3A_257, %multiple_of3A_92] : memref<64x100000xf32, #tpu.memory_space<hbm>> -> memref<64x128xf32, #tpu.memory_space<hbm>>
    tpu.wait_dma2 semaphore(%arg5 : memref<!tpu.dma_semaphore, #tpu.memory_space<semaphore_mem>>) src(%dma_wait3A_258 : memref<64x128xf32, #tpu.memory_space<hbm>>) dst(%dma_wait3A_256 : memref<64x128xf32, #tpu.memory_space<hbm>>)
    %dma_wait3A_259 = arith.constant 8 : i32
    %dma_wait3A_260 = arith.constant 0 : i32
    %dma_wait3A_261 = arith.constant 0 : i32
    %dma_wait3A_262 = tpu.memref_slice %arg3[%dma_wait3A_259, %dma_wait3A_260, %dma_wait3A_261] : memref<16x64x128xf32, #tpu.memory_space<hbm>> -> memref<1x64x128xf32, #tpu.memory_space<hbm>>
    %dma_wait3A_263 = tpu.memref_squeeze %dma_wait3A_262 : memref<1x64x128xf32, #tpu.memory_space<hbm>> -> memref<64x128xf32, #tpu.memory_space<hbm>>
    %dma_wait3A_264 = arith.constant 0 : i32
    %dma_wait3A_265 = tpu.memref_slice %arg1[%dma_wait3A_264, %multiple_of3A_105] : memref<64x100000xf32, #tpu.memory_space<hbm>> -> memref<64x128xf32, #tpu.memory_space<hbm>>
    tpu.wait_dma2 semaphore(%arg5 : memref<!tpu.dma_semaphore, #tpu.memory_space<semaphore_mem>>) src(%dma_wait3A_265 : memref<64x128xf32, #tpu.memory_space<hbm>>) dst(%dma_wait3A_263 : memref<64x128xf32, #tpu.memory_space<hbm>>)
    %dma_wait3A_266 = arith.constant 9 : i32
    %dma_wait3A_267 = arith.constant 0 : i32
    %dma_wait3A_268 = arith.constant 0 : i32
    %dma_wait3A_269 = tpu.memref_slice %arg3[%dma_wait3A_266, %dma_wait3A_267, %dma_wait3A_268] : memref<16x64x128xf32, #tpu.memory_space<hbm>> -> memref<1x64x128xf32, #tpu.memory_space<hbm>>
    %dma_wait3A_270 = tpu.memref_squeeze %dma_wait3A_269 : memref<1x64x128xf32, #tpu.memory_space<hbm>> -> memref<64x128xf32, #tpu.memory_space<hbm>>
    %dma_wait3A_271 = arith.constant 0 : i32
    %dma_wait3A_272 = tpu.memref_slice %arg1[%dma_wait3A_271, %multiple_of3A_118] : memref<64x100000xf32, #tpu.memory_space<hbm>> -> memref<64x128xf32, #tpu.memory_space<hbm>>
    tpu.wait_dma2 semaphore(%arg5 : memref<!tpu.dma_semaphore, #tpu.memory_space<semaphore_mem>>) src(%dma_wait3A_272 : memref<64x128xf32, #tpu.memory_space<hbm>>) dst(%dma_wait3A_270 : memref<64x128xf32, #tpu.memory_space<hbm>>)
    %dma_wait3A_273 = arith.constant 10 : i32
    %dma_wait3A_274 = arith.constant 0 : i32
    %dma_wait3A_275 = arith.constant 0 : i32
    %dma_wait3A_276 = tpu.memref_slice %arg3[%dma_wait3A_273, %dma_wait3A_274, %dma_wait3A_275] : memref<16x64x128xf32, #tpu.memory_space<hbm>> -> memref<1x64x128xf32, #tpu.memory_space<hbm>>
    %dma_wait3A_277 = tpu.memref_squeeze %dma_wait3A_276 : memref<1x64x128xf32, #tpu.memory_space<hbm>> -> memref<64x128xf32, #tpu.memory_space<hbm>>
    %dma_wait3A_278 = arith.constant 0 : i32
    %dma_wait3A_279 = tpu.memref_slice %arg1[%dma_wait3A_278, %multiple_of3A_131] : memref<64x100000xf32, #tpu.memory_space<hbm>> -> memref<64x128xf32, #tpu.memory_space<hbm>>
    tpu.wait_dma2 semaphore(%arg5 : memref<!tpu.dma_semaphore, #tpu.memory_space<semaphore_mem>>) src(%dma_wait3A_279 : memref<64x128xf32, #tpu.memory_space<hbm>>) dst(%dma_wait3A_277 : memref<64x128xf32, #tpu.memory_space<hbm>>)
    %dma_wait3A_280 = arith.constant 11 : i32
    %dma_wait3A_281 = arith.constant 0 : i32
    %dma_wait3A_282 = arith.constant 0 : i32
    %dma_wait3A_283 = tpu.memref_slice %arg3[%dma_wait3A_280, %dma_wait3A_281, %dma_wait3A_282] : memref<16x64x128xf32, #tpu.memory_space<hbm>> -> memref<1x64x128xf32, #tpu.memory_space<hbm>>
    %dma_wait3A_284 = tpu.memref_squeeze %dma_wait3A_283 : memref<1x64x128xf32, #tpu.memory_space<hbm>> -> memref<64x128xf32, #tpu.memory_space<hbm>>
    %dma_wait3A_285 = arith.constant 0 : i32
    %dma_wait3A_286 = tpu.memref_slice %arg1[%dma_wait3A_285, %multiple_of3A_144] : memref<64x100000xf32, #tpu.memory_space<hbm>> -> memref<64x128xf32, #tpu.memory_space<hbm>>
    tpu.wait_dma2 semaphore(%arg5 : memref<!tpu.dma_semaphore, #tpu.memory_space<semaphore_mem>>) src(%dma_wait3A_286 : memref<64x128xf32, #tpu.memory_space<hbm>>) dst(%dma_wait3A_284 : memref<64x128xf32, #tpu.memory_space<hbm>>)
    %dma_wait3A_287 = arith.constant 12 : i32
    %dma_wait3A_288 = arith.constant 0 : i32
    %dma_wait3A_289 = arith.constant 0 : i32
    %dma_wait3A_290 = tpu.memref_slice %arg3[%dma_wait3A_287, %dma_wait3A_288, %dma_wait3A_289] : memref<16x64x128xf32, #tpu.memory_space<hbm>> -> memref<1x64x128xf32, #tpu.memory_space<hbm>>
    %dma_wait3A_291 = tpu.memref_squeeze %dma_wait3A_290 : memref<1x64x128xf32, #tpu.memory_space<hbm>> -> memref<64x128xf32, #tpu.memory_space<hbm>>
    %dma_wait3A_292 = arith.constant 0 : i32
    %dma_wait3A_293 = tpu.memref_slice %arg1[%dma_wait3A_292, %multiple_of3A_157] : memref<64x100000xf32, #tpu.memory_space<hbm>> -> memref<64x128xf32, #tpu.memory_space<hbm>>
    tpu.wait_dma2 semaphore(%arg5 : memref<!tpu.dma_semaphore, #tpu.memory_space<semaphore_mem>>) src(%dma_wait3A_293 : memref<64x128xf32, #tpu.memory_space<hbm>>) dst(%dma_wait3A_291 : memref<64x128xf32, #tpu.memory_space<hbm>>)
    %dma_wait3A_294 = arith.constant 13 : i32
    %dma_wait3A_295 = arith.constant 0 : i32
    %dma_wait3A_296 = arith.constant 0 : i32
    %dma_wait3A_297 = tpu.memref_slice %arg3[%dma_wait3A_294, %dma_wait3A_295, %dma_wait3A_296] : memref<16x64x128xf32, #tpu.memory_space<hbm>> -> memref<1x64x128xf32, #tpu.memory_space<hbm>>
    %dma_wait3A_298 = tpu.memref_squeeze %dma_wait3A_297 : memref<1x64x128xf32, #tpu.memory_space<hbm>> -> memref<64x128xf32, #tpu.memory_space<hbm>>
    %dma_wait3A_299 = arith.constant 0 : i32
    %dma_wait3A_300 = tpu.memref_slice %arg1[%dma_wait3A_299, %multiple_of3A_170] : memref<64x100000xf32, #tpu.memory_space<hbm>> -> memref<64x128xf32, #tpu.memory_space<hbm>>
    tpu.wait_dma2 semaphore(%arg5 : memref<!tpu.dma_semaphore, #tpu.memory_space<semaphore_mem>>) src(%dma_wait3A_300 : memref<64x128xf32, #tpu.memory_space<hbm>>) dst(%dma_wait3A_298 : memref<64x128xf32, #tpu.memory_space<hbm>>)
    %dma_wait3A_301 = arith.constant 14 : i32
    %dma_wait3A_302 = arith.constant 0 : i32
    %dma_wait3A_303 = arith.constant 0 : i32
    %dma_wait3A_304 = tpu.memref_slice %arg3[%dma_wait3A_301, %dma_wait3A_302, %dma_wait3A_303] : memref<16x64x128xf32, #tpu.memory_space<hbm>> -> memref<1x64x128xf32, #tpu.memory_space<hbm>>
    %dma_wait3A_305 = tpu.memref_squeeze %dma_wait3A_304 : memref<1x64x128xf32, #tpu.memory_space<hbm>> -> memref<64x128xf32, #tpu.memory_space<hbm>>
    %dma_wait3A_306 = arith.constant 0 : i32
    %dma_wait3A_307 = tpu.memref_slice %arg1[%dma_wait3A_306, %multiple_of3A_183] : memref<64x100000xf32, #tpu.memory_space<hbm>> -> memref<64x128xf32, #tpu.memory_space<hbm>>
    tpu.wait_dma2 semaphore(%arg5 : memref<!tpu.dma_semaphore, #tpu.memory_space<semaphore_mem>>) src(%dma_wait3A_307 : memref<64x128xf32, #tpu.memory_space<hbm>>) dst(%dma_wait3A_305 : memref<64x128xf32, #tpu.memory_space<hbm>>)
    %dma_wait3A_308 = arith.constant 15 : i32
    %dma_wait3A_309 = arith.constant 0 : i32
    %dma_wait3A_310 = arith.constant 0 : i32
    %dma_wait3A_311 = tpu.memref_slice %arg3[%dma_wait3A_308, %dma_wait3A_309, %dma_wait3A_310] : memref<16x64x128xf32, #tpu.memory_space<hbm>> -> memref<1x64x128xf32, #tpu.memory_space<hbm>>
    %dma_wait3A_312 = tpu.memref_squeeze %dma_wait3A_311 : memref<1x64x128xf32, #tpu.memory_space<hbm>> -> memref<64x128xf32, #tpu.memory_space<hbm>>
    %dma_wait3A_313 = arith.constant 0 : i32
    %dma_wait3A_314 = tpu.memref_slice %arg1[%dma_wait3A_313, %multiple_of3A_196] : memref<64x100000xf32, #tpu.memory_space<hbm>> -> memref<64x128xf32, #tpu.memory_space<hbm>>
    tpu.wait_dma2 semaphore(%arg5 : memref<!tpu.dma_semaphore, #tpu.memory_space<semaphore_mem>>) src(%dma_wait3A_314 : memref<64x128xf32, #tpu.memory_space<hbm>>) dst(%dma_wait3A_312 : memref<64x128xf32, #tpu.memory_space<hbm>>)
    return
  }
}

module attributes {stable_mosaic.version = 14 : i64} {
  func.func @_loss_body(%arg0: i32, %arg1: memref<64x8192xf32, #tpu.memory_space<vmem>>, %arg2: memref<64x8192xf32, #tpu.memory_space<vmem>>, %arg3: memref<16x64x128xf32, #tpu.memory_space<vmem>>, %arg4: memref<16x1xi32, #tpu.memory_space<vmem>>, %arg5: memref<1x1xf32, #tpu.memory_space<smem>>, %arg6: memref<16x64xf32, #tpu.memory_space<vmem>>) attributes {dimension_semantics = [#tpu.dimension_semantics<arbitrary>], iteration_bounds = array<i64: 2>, scalar_prefetch = 0 : i64, scratch_operands = 1 : i64, tpu.core_type = #tpu.core_type<tc>, window_params = [{transform_indices = @transform_0, window_bounds = array<i64: 64, 8192>}, {transform_indices = @transform_1, window_bounds = array<i64: 64, 8192>}, {pipeline_mode = #tpu.pipeline_mode<synchronous>, transform_indices = @transform_2, window_bounds = array<i64: 16, 64, 128>}, {pipeline_mode = #tpu.pipeline_mode<synchronous>, transform_indices = @transform_3, window_bounds = array<i64: 16, 1>}, {transform_indices = @transform_4, window_bounds = array<i64: 1, 1>}]} {
    %eq3A = arith.constant 0 : i32
    %eq3A_0 = arith.cmpi eq, %arg0, %eq3A : i32
    %convert_element_type3A = arith.extui %eq3A_0 : i1 to i32
    %cond3A = arith.constant 0 : i32
    %cond3A_1 = arith.cmpi ne, %convert_element_type3A, %cond3A : i32
    scf.if %cond3A_1 {
      %get3A_60 = arith.constant 0 : index
      %get3A_61 = arith.constant 0 : index
      %get3A_62 = arith.constant 0 : index
      %get3A_63 = vector.load %arg3[%get3A_60, %get3A_61, %get3A_62] : memref<16x64x128xf32, #tpu.memory_space<vmem>>, vector<16x64x128xf32>
      %abs3A_64 = math.absf %get3A_63 : vector<16x64x128xf32>
      %lt3A_65 = arith.constant 1.000000e+30 : f32
      %lt3A_66 = vector.broadcast %lt3A_65 : f32 to vector<16x64x128xf32>
      %lt3A_67 = arith.cmpf olt, %abs3A_64, %lt3A_66 : vector<16x64x128xf32>
      %jit3A_68 = arith.constant 0.000000e+00 : f32
      %broadcast_in_dim3A_69 = vector.broadcast %jit3A_68 : f32 to vector<16x64x128xf32>
      %select_n3A_70 = arith.select %lt3A_67, %get3A_63, %broadcast_in_dim3A_69 : vector<16x64x128xi1>, vector<16x64x128xf32>
      %get3A_71 = arith.constant 0 : index
      %get3A_72 = arith.constant 0 : index
      %get3A_73 = vector.load %arg4[%get3A_71, %get3A_72] : memref<16x1xi32, #tpu.memory_space<vmem>>, vector<16x1xi32>
      %reshape3A = vector.shape_cast %get3A_73 : vector<16x1xi32> to vector<16x1x1xi32>
      %iota3A_74 = tpu.iota {dimensions = array<i32: 2>} : vector<16x64x128xi32>
      %eq3A_75 = vector.broadcast %reshape3A : vector<16x1x1xi32> to vector<16x64x128xi32>
      %eq3A_76 = arith.cmpi eq, %iota3A_74, %eq3A_75 : vector<16x64x128xi32>
      %jit3A_77 = arith.constant 0.000000e+00 : f32
      %broadcast_in_dim3A_78 = vector.broadcast %jit3A_77 : f32 to vector<16x64x128xf32>
      %select_n3A_79 = arith.select %eq3A_76, %select_n3A_70, %broadcast_in_dim3A_78 : vector<16x64x128xi1>, vector<16x64x128xf32>
      %reduce_sum3A_80 = arith.constant dense<0.000000e+00> : vector<16x64xf32>
      %reduce_sum3A_81 = vector.multi_reduction <add>, %select_n3A_79, %reduce_sum3A_80 [2] : vector<16x64x128xf32> to vector<16x64xf32>
      %swap3A_82 = arith.constant 0 : index
      %swap3A_83 = arith.constant 0 : index
      %swap3A_84 = vector.load %arg6[%swap3A_82, %swap3A_83] : memref<16x64xf32, #tpu.memory_space<vmem>>, vector<16x64xf32>
      tpu.vector_store %arg6[%swap3A_82, %swap3A_83], %reduce_sum3A_81 {strides = array<i32>} : memref<16x64xf32, #tpu.memory_space<vmem>>, vector<16x64xf32>,
    } else {
    }
    %get3A = arith.constant 0 : index
    %get3A_2 = arith.constant 0 : index
    %get3A_3 = vector.load %arg1[%get3A, %get3A_2] : memref<64x8192xf32, #tpu.memory_space<vmem>>, vector<64x8192xf32>
    %get3A_4 = arith.constant 0 : index
    %get3A_5 = arith.constant 0 : index
    %get3A_6 = vector.load %arg2[%get3A_4, %get3A_5] : memref<64x8192xf32, #tpu.memory_space<vmem>>, vector<64x8192xf32>
    %get3A_7 = arith.constant 0 : index
    %get3A_8 = arith.constant 0 : index
    %get3A_9 = vector.load %arg6[%get3A_7, %get3A_8] : memref<16x64xf32, #tpu.memory_space<vmem>>, vector<16x64xf32>
    %mul3A = arith.mulf %get3A_3, %get3A_6 : vector<64x8192xf32>
    %reduce_sum3A = arith.constant dense<0.000000e+00> : vector<8192xf32>
    %reduce_sum3A_10 = vector.multi_reduction <add>, %mul3A, %reduce_sum3A [0] : vector<64x8192xf32> to vector<8192xf32>
    %broadcast_in_dim3A = vector.shape_cast %reduce_sum3A_10 : vector<8192xf32> to vector<1x8192xf32>
    %min3A = arith.constant 0.000000e+00 : f32
    %min3A_11 = vector.broadcast %min3A : f32 to vector<1x8192xf32>
    %min3A_12 = arith.minimumf %broadcast_in_dim3A, %min3A_11 : vector<1x8192xf32>
    %abs3A = math.absf %broadcast_in_dim3A : vector<1x8192xf32>
    %neg3A = arith.constant 0.000000e+00 : f32
    %neg3A_13 = vector.broadcast %neg3A : f32 to vector<1x8192xf32>
    %neg3A_14 = arith.subf %neg3A_13, %abs3A : vector<1x8192xf32>
    %exp3A = math.exp %neg3A_14 : vector<1x8192xf32>
    %log1p3A = math.log1p %exp3A : vector<1x8192xf32>
    %sub3A = arith.subf %min3A_12, %log1p3A : vector<1x8192xf32>
    %dot_general3A = arith.constant dense<0.000000e+00> : vector<16x8192xf32>
    %dot_general3A_15 = tpu.matmul %get3A_9, %get3A_3, %dot_general3A {dimension_numbers = #tpu.dot_dimension_numbers<[1], [0], [0], [1], [0, 0, 1, 1], [], []>, transpose_lhs_hint = false} : vector<16x64xf32>, vector<64x8192xf32>, vector<16x8192xf32> -> vector<16x8192xf32>
    %neg3A_16 = arith.constant 0.000000e+00 : f32
    %neg3A_17 = vector.broadcast %neg3A_16 : f32 to vector<16x8192xf32>
    %neg3A_18 = arith.subf %neg3A_17, %dot_general3A_15 : vector<16x8192xf32>
    %min3A_19 = arith.constant 0.000000e+00 : f32
    %min3A_20 = vector.broadcast %min3A_19 : f32 to vector<16x8192xf32>
    %min3A_21 = arith.minimumf %neg3A_18, %min3A_20 : vector<16x8192xf32>
    %abs3A_22 = math.absf %neg3A_18 : vector<16x8192xf32>
    %neg3A_23 = arith.constant 0.000000e+00 : f32
    %neg3A_24 = vector.broadcast %neg3A_23 : f32 to vector<16x8192xf32>
    %neg3A_25 = arith.subf %neg3A_24, %abs3A_22 : vector<16x8192xf32>
    %exp3A_26 = math.exp %neg3A_25 : vector<16x8192xf32>
    %log1p3A_27 = math.log1p %exp3A_26 : vector<16x8192xf32>
    %sub3A_28 = arith.subf %min3A_21, %log1p3A_27 : vector<16x8192xf32>
    %iota3A = tpu.iota {dimensions = array<i32: 0>} : vector<16x8192xi32>
    %lt3A = arith.constant 15 : i32
    %lt3A_29 = vector.broadcast %lt3A : i32 to vector<16x8192xi32>
    %lt3A_30 = arith.cmpi slt, %iota3A, %lt3A_29 : vector<16x8192xi32>
    %jit3A = arith.constant 0.000000e+00 : f32
    %broadcast_in_dim3A_31 = vector.broadcast %jit3A : f32 to vector<16x8192xf32>
    %select_n3A = arith.select %lt3A_30, %sub3A_28, %broadcast_in_dim3A_31 : vector<16x8192xi1>, vector<16x8192xf32>
    %reduce_sum3A_32 = vector.shape_cast %sub3A : vector<1x8192xf32> to vector<1x1x8192xf32>
    %reduce_sum3A_33 = arith.constant dense<0.000000e+00> : vector<1xf32>
    %reduce_sum3A_34 = vector.multi_reduction <add>, %reduce_sum3A_32, %reduce_sum3A_33 [1, 2] : vector<1x1x8192xf32> to vector<1xf32>
    %reduce_sum3A_35 = vector.shape_cast %reduce_sum3A_34 : vector<1xf32> to vector<1x1x1xf32>
    %reduce_sum3A_36 = vector.extract %reduce_sum3A_35[0, 0, 0] : f32 from vector<1x1x1xf32>
    %reduce_sum3A_37 = vector.shape_cast %select_n3A : vector<16x8192xf32> to vector<1x16x8192xf32>
    %reduce_sum3A_38 = arith.constant dense<0.000000e+00> : vector<1xf32>
    %reduce_sum3A_39 = vector.multi_reduction <add>, %reduce_sum3A_37, %reduce_sum3A_38 [1, 2] : vector<1x16x8192xf32> to vector<1xf32>
    %reduce_sum3A_40 = vector.shape_cast %reduce_sum3A_39 : vector<1xf32> to vector<1x1x1xf32>
    %reduce_sum3A_41 = vector.extract %reduce_sum3A_40[0, 0, 0] : f32 from vector<1x1x1xf32>
    %add3A = arith.addf %reduce_sum3A_36, %reduce_sum3A_41 : f32
    %eq3A_42 = arith.constant 0 : i32
    %eq3A_43 = arith.cmpi eq, %arg0, %eq3A_42 : i32
    %convert_element_type3A_44 = arith.extui %eq3A_43 : i1 to i32
    %cond3A_45 = arith.constant 0 : i32
    %cond3A_46 = arith.cmpi ne, %convert_element_type3A_44, %cond3A_45 : i32
    scf.if %cond3A_46 {
      %swap3A_60 = arith.constant 0.000000e+00 : f32
      %swap3A_61 = arith.constant 0 : index
      %swap3A_62 = arith.constant 0 : index
      %swap3A_63 = memref.load %arg5[%swap3A_61, %swap3A_62] : memref<1x1xf32, #tpu.memory_space<smem>>
      memref.store %swap3A_60, %arg5[%swap3A_61, %swap3A_62] : memref<1x1xf32, #tpu.memory_space<smem>>
    } else {
    }
    %get3A_47 = arith.constant 0 : index
    %get3A_48 = arith.constant 0 : index
    %get3A_49 = memref.load %arg5[%get3A_47, %get3A_48] : memref<1x1xf32, #tpu.memory_space<smem>>
    %neg3A_50 = arith.constant 0.000000e+00 : f32
    %neg3A_51 = arith.subf %neg3A_50, %add3A : f32
    %add3A_52 = arith.addf %get3A_49, %neg3A_51 : f32
    %swap3A = arith.constant 0 : index
    %swap3A_53 = arith.constant 0 : index
    %swap3A_54 = memref.load %arg5[%swap3A, %swap3A_53] : memref<1x1xf32, #tpu.memory_space<smem>>
    memref.store %add3A_52, %arg5[%swap3A, %swap3A_53] : memref<1x1xf32, #tpu.memory_space<smem>>
    %eq3A_55 = arith.constant 1 : i32
    %eq3A_56 = arith.cmpi eq, %arg0, %eq3A_55 : i32
    %convert_element_type3A_57 = arith.extui %eq3A_56 : i1 to i32
    %cond3A_58 = arith.constant 0 : i32
    %cond3A_59 = arith.cmpi ne, %convert_element_type3A_57, %cond3A_58 : i32
    scf.if %cond3A_59 {
      %get3A_60 = arith.constant 0 : index
      %get3A_61 = arith.constant 0 : index
      %get3A_62 = memref.load %arg5[%get3A_60, %get3A_61] : memref<1x1xf32, #tpu.memory_space<smem>>
      %mul3A_63 = arith.constant 6.10351563E-5 : f32
      %mul3A_64 = arith.mulf %get3A_62, %mul3A_63 : f32
      %swap3A_65 = arith.constant 0 : index
      %swap3A_66 = arith.constant 0 : index
      %swap3A_67 = memref.load %arg5[%swap3A_65, %swap3A_66] : memref<1x1xf32, #tpu.memory_space<smem>>
      memref.store %mul3A_64, %arg5[%swap3A_65, %swap3A_66] : memref<1x1xf32, #tpu.memory_space<smem>>
    } else {
    }
    return
  }
  func.func @transform_0(%arg0: i32) -> (i32, i32) {
    %c0_i32 = arith.constant 0 : i32
    %c0_i32_0 = arith.constant 0 : i32
    return %c0_i32, %arg0 : i32, i32
  }
  func.func @transform_1(%arg0: i32) -> (i32, i32) {
    %c0_i32 = arith.constant 0 : i32
    %c0_i32_0 = arith.constant 0 : i32
    return %c0_i32, %arg0 : i32, i32
  }
  func.func @transform_2(%arg0: i32) -> (i32, i32, i32) {
    %c0_i32 = arith.constant 0 : i32
    %c0_i32_0 = arith.constant 0 : i32
    %c0_i32_1 = arith.constant 0 : i32
    %c0_i32_2 = arith.constant 0 : i32
    return %c0_i32, %c0_i32_0, %c0_i32_1 : i32, i32, i32
  }
  func.func @transform_3(%arg0: i32) -> (i32, i32) {
    %c0_i32 = arith.constant 0 : i32
    %c0_i32_0 = arith.constant 0 : i32
    %c0_i32_1 = arith.constant 0 : i32
    return %c0_i32, %c0_i32_0 : i32, i32
  }
  func.func @transform_4(%arg0: i32) -> (i32, i32) {
    %c0_i32 = arith.constant 0 : i32
    %c0_i32_0 = arith.constant 0 : i32
    %c0_i32_1 = arith.constant 0 : i32
    return %c0_i32, %c0_i32_0 : i32, i32
  }
}

</mosaic_0001>

<sc_bundles>
// kernel: kernel.4.cloned.1.call-start
scs
__scs_entry_jumppad:
0x0: {  	(pc) =	sbr.rel $0x88, $3  }
0x1: {  	(tag) =	ssettag $0x0;
	lr =	simm.s32 $0x1  }
0x2: {  	[smem:$0x3F9D] =	sst lr;
	_ =	strace $0xD0000000  }
0x3: {  	_ = 	snop  }
0x4: {  	_ = 	snop  }
0x5: {  	_ = 	snop  }
0x6: {  	_ = 	snop  }
0x7: {  	_ = 	snop  }
__scs_overlays_trampoline_lowered:
0x8: {  	[smem:$0x3FAC] =	sst s0  }
0x9: {  	[smem:$0x3FAD] =	sst s1  }
0xa: {  	[smem:$0x3FAE] =	sst s2  }
0xb: {  	[smem:$0x3FAF] =	sst s3  }
0xc: {  	[smem:$0x3FB0] =	sst s4  }
0xd: {  	[smem:$0x3FB1] =	sst s5  }
0xe: {  	[smem:$0x3FB2] =	sst s6  }
0xf: {  	[smem:$0x3FB3] =	sst s7  }
0x10: {  	[smem:$0x3FB4] =	sst s8  }
0x11: {  	[smem:$0x3FB5] =	sst s9;
	s0 =	simm.s32 @!p0 $0x0  }
0x12: {  	s1 =	sld [smem:$0x3F9B];
	s0 =	simm.s32 @p0 $0x1  }
0x13: {  	[smem:$0x3FB6] =	sst s0;
	s0 =	simm.s32 @!p1 $0x0  }
0x14: {  	s2 =	sld [smem:$0x3F9A];
	s0 =	simm.s32 @p1 $0x1  }
0x15: {  	[smem:$0x3FB7] =	sst s0;
	s0 =	simm.s32 @!p2 $0x0  }
0x16: {  	s3 =	sld [smem:$0x3FDB];
	s0 =	simm.s32 @p2 $0x1  }
0x17: {  	s4 =	simm.s32 $0x1BF5;
	[smem:$0x3FB9] =	sst s0  }
0x18: {  	s0 =	sld [smem:$0x3F9C];
	_ =	swait.ge [sflag:s4], $0x0  }
0x19: {  	s7 =	sld [smem:$0x3F9D]  }
0x1a: {  	s8 =	sadd.s32 $0xFFFFE003, lr  }
0x1b: {  	s9 =	sadd.s32 $0xFFFFFEF7, lr;
	s5 =	simm.s32 $0xFFFFFFFF;
	p2 =	slt.u32 s8, $0xFFFFF086  }
0x1c: {  	p1 =	slt.u32 s9, $0xF7A;
	s5 =	simm.s32 @!p2 $0x0  }
0x1d: {  	s5 =	simm.s32 @p1 $0x1;
	p0 =	seq.s32 s7, s2  }
0x1e: {  	s7 =	smul.u32 @!p0 $0xF7A, s2;
	p2 =	seq.s32 @!p0 s5, $0x0  }
0x1f: {  	s9 =	smul.u32 $0xF7A, s1;
	s8 =	simm.s32 @!p0 $0x1BF5;
	p2 =	por !p2, p0  }
0x20: {  	[sflag:s8] =	ssyncset.s32 @!p0 $0xFFFFF086;
	s6 =	sadd.s32 @!p0 s3, s7;
	s7 =	simm.s32 @!p0 $0x108  }
0x21: {  	s3 =	sadd.s32 s3, s9;
	s6 =	sadd.s32 @!p0 $0x88, s6;
	s7 =	simm.s32 @p2 $0x1082  }
0x22: {  	[simem:s7], [sflag:s8] =	dma.local @!p0 [hbm:s6], $0xF7A  }
0x23: {  	s9 =	sor.u32 $0xD0000000, s2;
	s6 =	simm.s32 $0x108;
	_ =	swait.ge @!p0 [sflag:s8], $0x0  }
0x24: {  	s3 =	sadd.s32 $0x88, s3;
	s6 =	simm.s32 @!p1 $0x1082;
	[sflag:s4] =	ssyncset.s32 $0xFFFFF086  }
0x25: {  	[simem:s6], [sflag:s4] =	dma.local [hbm:s3], $0xF7A  }
0x26: {  	[smem:$0x3F9D] =	sst s1;
	(tag) =	ssettag s2;
	_ =	strace s9  }
0x27: {  	s1 =	sld [smem:$0x3FAD]  }
0x28: {  	s2 =	sld [smem:$0x3FAE]  }
0x29: {  	s4 =	sld [smem:$0x3FB0]  }
0x2a: {  	p0 =	seq.s32 s5, $0x0;
	s5 =	sld [smem:$0x3FB1]  }
0x2b: {  	s6 =	sld [smem:$0x3FB2]  }
0x2c: {  	s7 =	sld [smem:$0x3FB3]  }
0x2d: {  	s3 =	simm.s32 $0x108;
	s8 =	sld [smem:$0x3FB4]  }
0x2e: {  	s3 =	simm.s32 @!p0 $0x1082;
	s9 =	sld [smem:$0x3FB5]  }
0x2f: {  	lr =	sadd.s32 s0, s3;
	s0 =	sld [smem:$0x3FAC]  }
0x30: {  	s3 =	sld [smem:$0x3FAF]  }
0x31: {  	[smem:$0x3FB8] =	sst s10  }
0x32: {  	s10 =	sld [smem:$0x3FB6];
	_ =	sdelay $0x3  }
0x33: {  	p0 =	seq.s32 s10, $0x1;
	s10 =	sld [smem:$0x3FB8];
	_ =	sdelay $0x3  }
0x34: {  	[smem:$0x3FB8] =	sst s10  }
0x35: {  	s10 =	sld [smem:$0x3FB7];
	_ =	sdelay $0x3  }
0x36: {  	p1 =	seq.s32 s10, $0x1;
	s10 =	sld [smem:$0x3FB8];
	_ =	sdelay $0x3  }
0x37: {  	[smem:$0x3FB8] =	sst s10  }
0x38: {  	s10 =	sld [smem:$0x3FB9]  }
0x39: {  	_ = 	snop;
	(pc) =	sbr.ind lr, $3  }
0x3a: {  	_ = 	snop  }
0x3b: {  	_ = 	snop  }
0x3c: {  	p2 =	seq.s32 s10, $0x1;
	s10 =	sld [smem:$0x3FB8]  }
0x3d: {  	_ =	shalt  }
0x3e: {  	_ =	shalt  }
0x3f: {  	_ =	shalt  }
0x40: {  	_ =	shalt  }
0x41: {  	_ =	shalt  }
0x42: {  	_ =	shalt  }
0x43: {  	_ =	shalt  }
0x44: {  	_ =	shalt  }
0x45: {  	_ =	shalt  }
0x46: {  	_ =	shalt  }
0x47: {  	_ =	shalt  }
0x48: {  	_ =	shalt  }
0x49: {  	_ =	shalt  }
0x4a: {  	_ =	shalt  }
0x4b: {  	_ =	shalt  }
0x4c: {  	_ =	shalt  }
0x4d: {  	_ =	shalt  }
0x4e: {  	_ =	shalt  }
0x4f: {  	_ =	shalt  }
0x50: {  	_ =	shalt  }
0x51: {  	_ =	shalt  }
0x52: {  	_ =	shalt  }
0x53: {  	_ =	shalt  }
0x54: {  	_ =	shalt  }
0x55: {  	_ =	shalt  }
0x56: {  	_ =	shalt  }
0x57: {  	_ =	shalt  }
0x58: {  	_ =	shalt  }
0x59: {  	_ =	shalt  }
0x5a: {  	_ =	shalt  }
0x5b: {  	_ =	shalt  }
0x5c: {  	_ =	shalt  }
0x5d: {  	_ =	shalt  }
0x5e: {  	_ =	shalt  }
0x5f: {  	_ =	shalt  }
0x60: {  	_ =	shalt  }
0x61: {  	_ =	shalt  }
0x62: {  	_ =	shalt  }
0x63: {  	_ =	shalt  }
0x64: {  	_ =	shalt  }
0x65: {  	_ =	shalt  }
0x66: {  	_ =	shalt  }
0x67: {  	_ =	shalt  }
0x68: {  	_ =	shalt  }
0x69: {  	_ =	shalt  }
0x6a: {  	_ =	shalt  }
0x6b: {  	_ =	shalt  }
0x6c: {  	_ =	shalt  }
0x6d: {  	_ =	shalt  }
0x6e: {  	_ =	shalt  }
0x6f: {  	_ =	shalt  }
0x70: {  	_ =	shalt  }
0x71: {  	_ =	shalt  }
0x72: {  	_ =	shalt  }
0x73: {  	_ =	shalt  }
0x74: {  	_ =	shalt  }
0x75: {  	_ =	shalt  }
0x76: {  	_ =	shalt  }
0x77: {  	_ =	shalt  }
0x78: {  	_ =	shalt  }
0x79: {  	_ =	shalt  }
0x7a: {  	_ =	shalt  }
0x7b: {  	_ =	shalt  }
0x7c: {  	_ =	shalt  }
0x7d: {  	_ =	shalt  }
0x7e: {  	_ =	shalt  }
0x7f: {  	_ =	shalt  }
0x80: {  	_ =	shalt  }
0x81: {  	_ =	shalt  }
0x82: {  	_ =	shalt  }
0x83: {  	_ =	shalt  }
0x84: {  	_ =	shalt  }
0x85: {  	_ =	shalt  }
0x86: {  	_ =	shalt  }
0x87: {  	_ =	shalt  }
.Lfunc_end0:
.L_simem_size_0:
called_computation_lowered:
.L_overlay_start_0:
0x88: {  	s0 =	sld [smem:$0x3FD9]  }
0x89: {  	s1 =	sld [smem:$0x3FFE];
	_ =	sdelay $0x3  }
0x8a: {  	s0 =	sadd.s32 s1, s0  }
0x8b: {  	s6 =	simm.s32 $0x0;
	[smem:$0x3FC4] =	sst s0  }
0x8c: {  	[smem:$0xF] =	sst s6  }
0x8d: {  	s3 =	sld [smem:$0x3FC7]  }
0x8e: {  	s31 =	sld [smem:$0x3FC6];
	(tm) =	ssettm $0x1  }
0x8f: {  	s7 =	sld [smem:$0x3FFB];
	_ =	sdelay $0x3  }
0x90: {  	_ =	strace s7  }
0x91: {  	s0 =	sld [smem:$0x3FFC];
	_ =	sdelay $0x3  }
0x92: {  	_ =	strace s0  }
0x93: {  	s0 =	sld [smem:$0x3FFD];
	_ =	sdelay $0x3  }
0x94: {  	_ =	strace s0  }
0x95: {  	s8 =	simm.s32 $0x1B8B;
	_ =	strace $0x8FFFFFFF  }
0x96: {  	_ =	swait.ge [sflag:s8], $0x1  }
0x97: {  	[sflag:s8] =	ssyncset.done $0x0  }
0x98: {  	s9 =	simm.s32 $0x1B8E;
	[sflag:s8] =	ssyncadd.s32 $0xFFFFFFFF  }
0x99: {  	s10 =	simm.s32 $0x9;
	[smem:$0x3FD2] =	sst s9  }
0x9a: {  	s4 =	simm.s32 $0x10;
	s2 =	sld [smem:$0x3FFE];
	_ =	strace $0x80000046  }
0x9b: {  	[smem:s4], [sflag:s10] =	dma.local [hbm:s3], $0x10  }
0x9c: {  	_ =	swait.ge [sflag:s10], $0x10  }
0x9d: {  	[sflag:s10] =	ssyncset.done $0x0  }
0x9e: {  	[sflag:s10] =	ssyncadd.s32 $0xFFFFFFF0  }
0x9f: {  	s11 =	sld [smem:$0x10];
	_ =	sdelay $0x3  }
0xa0: {  	s12 =	simm.s32 $0x8;
	s5 =	simm.s32 $0x80;
	s3 =	sand.u32 $0xFFFFF80, s11  }
0xa1: {  	s6 =	simm.s32 $0x18700;
	s7 =	sadd.s32 $0xC00, s2;
	s3 =	sadd.s32 s31, s3  }
0xa2: {  	[hbm:s7@s5], [sflag:s10] =	dma.strided [hbm:s3@s6], $0x400, s12, $0x10   }
0xa3: {  	s7 =	sld [smem:$0x11];
	_ =	sdelay $0x3  }
0xa4: {  	s7 =	sand.u32 $0xFFFFF80, s7  }
0xa5: {  	s8 =	sadd.s32 $0x1000, s2;
	s7 =	sadd.s32 s31, s7  }
0xa6: {  	[hbm:s8@s5], [sflag:s10] =	dma.strided [hbm:s7@s6], $0x400, s12, $0x10   }
0xa7: {  	s7 =	sld [smem:$0x12];
	_ =	sdelay $0x3  }
0xa8: {  	s7 =	sand.u32 $0xFFFFF80, s7  }
0xa9: {  	s13 =	sadd.s32 $0x1400, s2;
	s7 =	sadd.s32 s31, s7  }
0xaa: {  	[hbm:s13@s5], [sflag:s10] =	dma.strided [hbm:s7@s6], $0x400, s12, $0x10   }
0xab: {  	s7 =	sld [smem:$0x13];
	_ =	sdelay $0x3  }
0xac: {  	s7 =	sand.u32 $0xFFFFF80, s7  }
0xad: {  	s14 =	sadd.s32 $0x1800, s2;
	s7 =	sadd.s32 s31, s7  }
0xae: {  	[hbm:s14@s5], [sflag:s10] =	dma.strided [hbm:s7@s6], $0x400, s12, $0x10   }
0xaf: {  	s7 =	sld [smem:$0x14];
	_ =	sdelay $0x3  }
0xb0: {  	s7 =	sand.u32 $0xFFFFF80, s7  }
0xb1: {  	s15 =	sadd.s32 $0x1C00, s2;
	s7 =	sadd.s32 s31, s7  }
0xb2: {  	[hbm:s15@s5], [sflag:s10] =	dma.strided [hbm:s7@s6], $0x400, s12, $0x10   }
0xb3: {  	s7 =	sld [smem:$0x15];
	_ =	sdelay $0x3  }
0xb4: {  	s7 =	sand.u32 $0xFFFFF80, s7  }
0xb5: {  	s16 =	sadd.s32 $0x2000, s2;
	s7 =	sadd.s32 s31, s7  }
0xb6: {  	[hbm:s16@s5], [sflag:s10] =	dma.strided [hbm:s7@s6], $0x400, s12, $0x10   }
0xb7: {  	s7 =	sld [smem:$0x16];
	_ =	sdelay $0x3  }
0xb8: {  	s7 =	sand.u32 $0xFFFFF80, s7  }
0xb9: {  	s17 =	sadd.s32 $0x2400, s2;
	s7 =	sadd.s32 s31, s7  }
0xba: {  	[hbm:s17@s5], [sflag:s10] =	dma.strided [hbm:s7@s6], $0x400, s12, $0x10   }
0xbb: {  	s7 =	sld [smem:$0x17];
	_ =	sdelay $0x3  }
0xbc: {  	s7 =	sand.u32 $0xFFFFF80, s7  }
0xbd: {  	s18 =	sadd.s32 $0x2800, s2;
	s7 =	sadd.s32 s31, s7  }
0xbe: {  	[hbm:s18@s5], [sflag:s10] =	dma.strided [hbm:s7@s6], $0x400, s12, $0x10   }
0xbf: {  	s7 =	sld [smem:$0x18];
	_ =	sdelay $0x3  }
0xc0: {  	s7 =	sand.u32 $0xFFFFF80, s7  }
0xc1: {  	s19 =	sadd.s32 $0x2C00, s2;
	s7 =	sadd.s32 s31, s7  }
0xc2: {  	[hbm:s19@s5], [sflag:s10] =	dma.strided [hbm:s7@s6], $0x400, s12, $0x10   }
0xc3: {  	s7 =	sld [smem:$0x19];
	_ =	sdelay $0x3  }
0xc4: {  	s7 =	sand.u32 $0xFFFFF80, s7  }
0xc5: {  	s20 =	sadd.s32 $0x3000, s2;
	s7 =	sadd.s32 s31, s7  }
0xc6: {  	[hbm:s20@s5], [sflag:s10] =	dma.strided [hbm:s7@s6], $0x400, s12, $0x10   }
0xc7: {  	s7 =	sld [smem:$0x1A];
	_ =	sdelay $0x3  }
0xc8: {  	s7 =	sand.u32 $0xFFFFF80, s7  }
0xc9: {  	s21 =	sadd.s32 $0x3400, s2;
	s7 =	sadd.s32 s31, s7  }
0xca: {  	[hbm:s21@s5], [sflag:s10] =	dma.strided [hbm:s7@s6], $0x400, s12, $0x10   }
0xcb: {  	s7 =	sld [smem:$0x1B];
	_ =	sdelay $0x3  }
0xcc: {  	s7 =	sand.u32 $0xFFFFF80, s7  }
0xcd: {  	s22 =	sadd.s32 $0x3800, s2;
	s7 =	sadd.s32 s31, s7  }
0xce: {  	[hbm:s22@s5], [sflag:s10] =	dma.strided [hbm:s7@s6], $0x400, s12, $0x10   }
0xcf: {  	s7 =	sld [smem:$0x1C];
	_ =	sdelay $0x3  }
0xd0: {  	s7 =	sand.u32 $0xFFFFF80, s7  }
0xd1: {  	s23 =	sadd.s32 $0x3C00, s2;
	s7 =	sadd.s32 s31, s7  }
0xd2: {  	[hbm:s23@s5], [sflag:s10] =	dma.strided [hbm:s7@s6], $0x400, s12, $0x10   }
0xd3: {  	s7 =	sld [smem:$0x1D];
	_ =	sdelay $0x3  }
0xd4: {  	s7 =	sand.u32 $0xFFFFF80, s7  }
0xd5: {  	s24 =	sadd.s32 $0x4000, s2;
	s7 =	sadd.s32 s31, s7  }
0xd6: {  	[hbm:s24@s5], [sflag:s10] =	dma.strided [hbm:s7@s6], $0x400, s12, $0x10   }
0xd7: {  	s7 =	sld [smem:$0x1E];
	_ =	sdelay $0x3  }
0xd8: {  	s7 =	sand.u32 $0xFFFFF80, s7  }
0xd9: {  	s25 =	sadd.s32 $0x4400, s2;
	s26 =	sadd.s32 $0x4800, s2;
	s1 =	sadd.s32 s31, s7  }
0xda: {  	[hbm:s25@s5], [sflag:s10] =	dma.strided [hbm:s1@s6], $0x400, s12, $0x10   }
0xdb: {  	[hbm:s26@s5], [sflag:s10] =	dma.strided [hbm:s3@s6], $0x400, s12, $0x10   }
0xdc: {  	_ =	swait.ge [sflag:s10], $0x400  }
0xdd: {  	[sflag:s10] =	ssyncset.done $0x0  }
0xde: {  	[sflag:s10] =	ssyncadd.s32 $0xFFFFFC00;
	_ =	sdelay $0x2  }
0xdf: {  	_ =	swait.ge [sflag:s10], $0x400  }
0xe0: {  	[sflag:s10] =	ssyncset.done $0x0  }
0xe1: {  	[sflag:s10] =	ssyncadd.s32 $0xFFFFFC00;
	_ =	sdelay $0x2  }
0xe2: {  	_ =	swait.ge [sflag:s10], $0x400  }
0xe3: {  	[sflag:s10] =	ssyncset.done $0x0  }
0xe4: {  	[sflag:s10] =	ssyncadd.s32 $0xFFFFFC00;
	_ =	sdelay $0x2  }
0xe5: {  	_ =	swait.ge [sflag:s10], $0x400  }
0xe6: {  	[sflag:s10] =	ssyncset.done $0x0  }
0xe7: {  	[sflag:s10] =	ssyncadd.s32 $0xFFFFFC00;
	_ =	sdelay $0x2  }
0xe8: {  	_ =	swait.ge [sflag:s10], $0x400  }
0xe9: {  	[sflag:s10] =	ssyncset.done $0x0  }
0xea: {  	[sflag:s10] =	ssyncadd.s32 $0xFFFFFC00;
	_ =	sdelay $0x2  }
0xeb: {  	_ =	swait.ge [sflag:s10], $0x400  }
0xec: {  	[sflag:s10] =	ssyncset.done $0x0  }
0xed: {  	[sflag:s10] =	ssyncadd.s32 $0xFFFFFC00;
	_ =	sdelay $0x2  }
0xee: {  	_ =	swait.ge [sflag:s10], $0x400  }
0xef: {  	[sflag:s10] =	ssyncset.done $0x0  }
0xf0: {  	[sflag:s10] =	ssyncadd.s32 $0xFFFFFC00;
	_ =	sdelay $0x2  }
0xf1: {  	_ =	swait.ge [sflag:s10], $0x400  }
0xf2: {  	[sflag:s10] =	ssyncset.done $0x0  }
0xf3: {  	[sflag:s10] =	ssyncadd.s32 $0xFFFFFC00;
	_ =	sdelay $0x2  }
0xf4: {  	_ =	swait.ge [sflag:s10], $0x400  }
0xf5: {  	[sflag:s10] =	ssyncset.done $0x0  }
0xf6: {  	[sflag:s10] =	ssyncadd.s32 $0xFFFFFC00;
	_ =	sdelay $0x2  }
0xf7: {  	_ =	swait.ge [sflag:s10], $0x400  }
0xf8: {  	[sflag:s10] =	ssyncset.done $0x0  }
0xf9: {  	[sflag:s10] =	ssyncadd.s32 $0xFFFFFC00;
	_ =	sdelay $0x2  }
0xfa: {  	_ =	swait.ge [sflag:s10], $0x400  }
0xfb: {  	[sflag:s10] =	ssyncset.done $0x0  }
0xfc: {  	[sflag:s10] =	ssyncadd.s32 $0xFFFFFC00;
	_ =	sdelay $0x2  }
0xfd: {  	_ =	swait.ge [sflag:s10], $0x400  }
0xfe: {  	[sflag:s10] =	ssyncset.done $0x0  }
0xff: {  	[sflag:s10] =	ssyncadd.s32 $0xFFFFFC00;
	_ =	sdelay $0x2  }
0x100: {  	_ =	swait.ge [sflag:s10], $0x400  }
0x101: {  	[sflag:s10] =	ssyncset.done $0x0  }
0x102: {  	[sflag:s10] =	ssyncadd.s32 $0xFFFFFC00;
	_ =	sdelay $0x2  }
0x103: {  	_ =	swait.ge [sflag:s10], $0x400  }
0x104: {  	[sflag:s10] =	ssyncset.done $0x0  }
0x105: {  	[sflag:s10] =	ssyncadd.s32 $0xFFFFFC00;
	_ =	sdelay $0x2  }
0x106: {  	_ =	swait.ge [sflag:s10], $0x400  }
0x107: {  	[sflag:s10] =	ssyncset.done $0x0  }
0x108: {  	[sflag:s10] =	ssyncadd.s32 $0xFFFFFC00;
	_ =	sdelay $0x2  }
0x109: {  	_ =	swait.ge [sflag:s10], $0x400  }
0x10a: {  	[sflag:s10] =	ssyncset.done $0x0  }
0x10b: {  	[sflag:s10] =	ssyncadd.s32 $0xFFFFFC00  }
0x10c: {  	_ =	strace $0x90000046  }
0x10d: {  	_ =	sfence  }
0x10e: {  	s28 =	sld [smem:$0x0];
	_ =	sdelay $0x1  }
0x10f: {  	s29 =	srdreg.scid  }
0x110: {  	s30 =	sshll.u32 s29, $0xD;
	s31 =	sshrl.u32 s29, $0x2  }
0x111: {  	s2 =	sand.u32 $0x4000, s30;
	s1 =	sand.u32 $0x1, s29;
	s0 =	sadd.s32 s31, s28  }
0x112: {  	s1 =	sor.u32 s2, s1;
	s0 =	sshll.u32 s0, $0x11  }
0x113: {  	s0 =	sor.u32 s0, s1  }
0x114: {  	s0 =	sadd.s32 $0x8F2B, s0;
	(pc) =	sbr.abs _section_cstart, $3  }
0x115: {  	[sflag:s0] =	ssyncadd.remote.s32 $0x1  }
0x116: {  	_ =	strace $0x9FFFFFFF  }
0x117: {  	(tm) =	ssettm $0x7FFFFFFF  }

</sc_bundles>
